<compile_context>
chip_gen: v7x
topology: tpu7x:2x2x1
jax: 0.10.2.dev20260603
libtpu: 0.0.44.dev20260713+nightly
codegen_flags: <defaults>
</compile_context>

<pallas_src>
import functools

import jax
import jax.numpy as jnp
from jax import lax
from jax.experimental import pallas as pl
from jax.experimental.pallas import tpu as pltpu
from jax.experimental.pallas import tpu_sc as plsc

B = 16384
BLK = 4096
D = 32
NCAT = 128
OFF_S, OFF_G, OFF_M = 66, 100, 118
NC, NS = 2, 16
NW = NC * NS
EPW = B // NW


def _sc_gather_body(idx_hbm, tab_hbm, out_hbm, idx_v, rows_v, sem):
    wid = lax.axis_index("s") * NC + lax.axis_index("c")
    base = wid * EPW
    for f in range(4):
        off = f * B + base
        pltpu.sync_copy(idx_hbm.at[pl.ds(off, EPW)], idx_v)
        pltpu.async_copy(tab_hbm.at[idx_v], rows_v, sem).wait()
        pltpu.sync_copy(rows_v, out_hbm.at[pl.ds(off, EPW)])


_sc_gather = pl.kernel(
    _sc_gather_body,
    mesh=plsc.VectorSubcoreMesh(core_axis_name="c", subcore_axis_name="s"),
    out_type=jax.ShapeDtypeStruct((4 * B, NCAT), jnp.float32),
    scratch_types=[
        pltpu.VMEM((EPW,), jnp.int32),
        pltpu.VMEM((EPW, NCAT), jnp.float32),
        pltpu.SemaphoreType.DMA,
    ],
)


def _tc_body(e_ref, cost_ref, time_ref, cw_ref, w1_ref, b1_ref,
             w2_ref, b2_ref, w3_ref, b3_ref, out_ref):
    e = e_ref[0, 0] + e_ref[1, 0] + e_ref[2, 0] + e_ref[3, 0]
    h1 = jnp.dot(e, w1_ref[0:NCAT, :], preferred_element_type=jnp.float32)

    fold = jnp.dot(cw_ref[...], w1_ref[NCAT:192, :],
                   preferred_element_type=jnp.float32)
    ct = jnp.stack([cost_ref[...], time_ref[...]], axis=0)
    h1 = h1 + lax.dot_general(ct, fold[0:2, :], (((0,), (0,)), ((), ())),
                              preferred_element_type=jnp.float32)
    b1pp = b1_ref[...][None, :] + fold[2:3, :] + fold[3:4, :]

    h1 = jnp.maximum(h1 + b1pp, 0.0)
    h2 = jnp.maximum(
        jnp.dot(h1, w2_ref[...], preferred_element_type=jnp.float32)
        + b2_ref[...][None, :],
        0.0)
    out_ref[...] = (jnp.dot(h2, w3_ref[...], preferred_element_type=jnp.float32)
                    + b3_ref[...][None, :])


def kernel(center_idx, subject_idx, grade_idx, method_idx, cost, time,
           center_table, subject_table, grade_table, method_table,
           cost_W, cost_b, time_W, time_b,
           W1, b1, W2, b2, W3, b3):
    idx_all = jnp.concatenate([
        center_idx.astype(jnp.int32),
        subject_idx.astype(jnp.int32) + OFF_S,
        grade_idx.astype(jnp.int32) + OFF_G,
        method_idx.astype(jnp.int32) + OFF_M,
    ])

    tcat = jnp.zeros((NCAT, NCAT), dtype=jnp.float32)
    tcat = tcat.at[0:OFF_S, 0:32].set(center_table)
    tcat = tcat.at[OFF_S:OFF_G, 32:64].set(subject_table)
    tcat = tcat.at[OFF_G:OFF_M, 64:96].set(grade_table)
    tcat = tcat.at[OFF_M:NCAT, 96:128].set(method_table)

    emb = _sc_gather(idx_all, tcat)

    cw = jnp.zeros((4, 64), dtype=jnp.float32)
    cw = cw.at[0, 0:32].set(cost_W[0])
    cw = cw.at[1, 32:64].set(time_W[0])
    cw = cw.at[2, 0:32].set(cost_b)
    cw = cw.at[3, 32:64].set(time_b)

    nb = B // BLK
    e4 = emb.reshape(4, nb, BLK, NCAT)
    vec_spec = pl.BlockSpec((BLK,), lambda i: (i,))
    full = lambda a: pl.BlockSpec(a.shape, lambda i: (0,) * a.ndim)

    return pl.pallas_call(
        _tc_body,
        grid=(nb,),
        in_specs=[pl.BlockSpec((4, 1, BLK, NCAT), lambda i: (0, i, 0, 0)),
                  vec_spec, vec_spec,
                  full(cw), full(W1), full(b1), full(W2), full(b2),
                  full(W3), full(b3)],
        out_specs=pl.BlockSpec((BLK, D), lambda i: (i, 0)),
        out_shape=jax.ShapeDtypeStruct((B, D), jnp.float32),
        compiler_params=pltpu.CompilerParams(
            dimension_semantics=("arbitrary",)),
    )(e4, cost, time, cw, W1, b1, W2, b2, W3, b3)

# --- scband reference (transcript-rebuilt; emitter-appended) ---
"""Pipeline reference for scband-course-model-13494787244042 (READ-ONLY COPY).

The authoritative reference and input builder live on the scoring server;
editing this copy changes nothing except your own understanding.
"""

import jax, jax.numpy as jnp
import numpy as np

B = 16384
D = 32
V_CENTER = 64 + 2
V_SUBJECT = 32 + 2
V_GRADE = 16 + 2
V_METHOD = 8 + 2


def setup_inputs(seed: int = 0) -> dict:
    key = jax.random.key(seed)
    ks = jax.random.split(key, 24)
    inp = {}
    # categorical features: StringLookup output = integer ids in [0, vocab+2)
    inp["center_idx"] = jax.random.randint(ks[0], (B,), 0, V_CENTER, dtype=jnp.int32).astype(jnp.int64)
    inp["subject_idx"] = jax.random.randint(ks[1], (B,), 0, V_SUBJECT, dtype=jnp.int32).astype(jnp.int64)
    inp["grade_idx"] = jax.random.randint(ks[2], (B,), 0, V_GRADE, dtype=jnp.int32).astype(jnp.int64)
    inp["method_idx"] = jax.random.randint(ks[3], (B,), 0, V_METHOD, dtype=jnp.int32).astype(jnp.int64)
    # numeric features
    inp["cost"] = jax.random.uniform(ks[4], (B,), dtype=jnp.float32)
    inp["time"] = jax.random.uniform(ks[5], (B,), dtype=jnp.float32)
    # embedding tables
    inp["center_table"] = jax.random.normal(ks[6], (V_CENTER, D), dtype=jnp.float32) * 0.05
    inp["subject_table"] = jax.random.normal(ks[7], (V_SUBJECT, D), dtype=jnp.float32) * 0.05
    inp["grade_table"] = jax.random.normal(ks[8], (V_GRADE, D), dtype=jnp.float32) * 0.05
    inp["method_table"] = jax.random.normal(ks[9], (V_METHOD, D), dtype=jnp.float32) * 0.05
    # dense projections for the two numeric features (1 -> 32)
    inp["cost_W"] = jax.random.normal(ks[10], (1, D), dtype=jnp.float32) * 0.5
    inp["cost_b"] = jnp.zeros((D,), dtype=jnp.float32)
    inp["time_W"] = jax.random.normal(ks[11], (1, D), dtype=jnp.float32) * 0.5
    inp["time_b"] = jnp.zeros((D,), dtype=jnp.float32)
    # MLP tower: 192 -> 256 -> 128 -> 32
    inp["W1"] = jax.random.normal(ks[12], (192, 256), dtype=jnp.float32) * (1.0 / np.sqrt(192))
    inp["b1"] = jnp.zeros((256,), dtype=jnp.float32)
    inp["W2"] = jax.random.normal(ks[13], (256, 128), dtype=jnp.float32) * (1.0 / np.sqrt(256))
    inp["b2"] = jnp.zeros((128,), dtype=jnp.float32)
    inp["W3"] = jax.random.normal(ks[14], (128, 32), dtype=jnp.float32) * (1.0 / np.sqrt(128))
    inp["b3"] = jnp.zeros((32,), dtype=jnp.float32)
    return inp


def reference(center_idx, subject_idx, grade_idx, method_idx, cost, time,
              center_table, subject_table, grade_table, method_table,
              cost_W, cost_b, time_W, time_b,
              W1, b1, W2, b2, W3, b3):
    # embedding gathers (SparseCore-mappable)
    center_e = jnp.take(center_table, center_idx, axis=0)
    subject_e = jnp.take(subject_table, subject_idx, axis=0)
    grade_e = jnp.take(grade_table, grade_idx, axis=0)
    method_e = jnp.take(method_table, method_idx, axis=0)
    # numeric feature dense projections
    cost_2d = cost[:, None]
    time_2d = time[:, None]
    cost_e = cost_2d @ cost_W + cost_b
    time_e = time_2d @ time_W + time_b
    concatenated = jnp.concatenate([center_e, subject_e, grade_e, method_e, cost_e, time_e], axis=-1)
    # MLP tower (dropout is identity at inference)
    h = jax.nn.relu(concatenated @ W1 + b1)
    h = jax.nn.relu(h @ W2 + b2)
    out = h @ W3 + b3
    return out

if __name__ == "__main__":
    import jax
    _d = setup_inputs()
    print(jax.jit(kernel)(*tuple(_d.values())))

</pallas_src>

<mosaic_0001>
#map = affine_map<(d0, d1) -> (0)>
#map1 = affine_map<(d0, d1) -> (0, 0)>
module attributes {stable_mosaic.version = 14 : i64} {
  func.func @_sc_gather_body(%arg0: i32, %arg1: i32, %arg2: memref<65536xi32, #tpu.memory_space<hbm>>, %arg3: memref<128x128xf32, #tpu.memory_space<hbm>>, %arg4: memref<65536x128xf32, #tpu.memory_space<hbm>>, %arg5: memref<512xi32, #tpu.memory_space<vmem>>, %arg6: memref<512x128xf32, #tpu.memory_space<vmem>>, %arg7: memref<!tpu.dma_semaphore, #tpu.memory_space<semaphore_mem>>) attributes {dimension_semantics = [#tpu.dimension_semantics<core_parallel>, #tpu.dimension_semantics<subcore_parallel>], iteration_bounds = array<i64: 2, 16>, scalar_prefetch = 0 : i64, scratch_operands = 3 : i64, tpu.core_type = #tpu.core_type<sc_vector_subcore>, window_params = [{transform_indices = #map}, {transform_indices = #map1}, {transform_indices = #map1}]} {
    %mul3A = arith.constant 2 : i32
    %mul3A_0 = arith.muli %arg1, %mul3A : i32
    %add3A = arith.addi %mul3A_0, %arg0 : i32
    %mul3A_1 = arith.constant 512 : i32
    %mul3A_2 = arith.muli %add3A, %mul3A_1 : i32
    %add3A_3 = arith.constant 0 : i32
    %add3A_4 = arith.addi %add3A_3, %mul3A_2 : i32
    "tpu.region"() ({
      %run_scoped3A = tpu.sem_alloc : memref<!tpu.dma_semaphore, #tpu.memory_space<semaphore_mem>>
      %dma_start3A_33 = tpu.memref_slice %arg2[%add3A_4] : memref<65536xi32, #tpu.memory_space<hbm>> -> memref<512xi32, #tpu.memory_space<hbm>>
      %dma_start3A_34 = tpu.memref_slice %arg2[%add3A_4] : memref<65536xi32, #tpu.memory_space<hbm>> -> memref<512xi32, #tpu.memory_space<hbm>>
      tpu.enqueue_dma source(%dma_start3A_34 : memref<512xi32, #tpu.memory_space<hbm>>) target(%arg5 : memref<512xi32, #tpu.memory_space<vmem>>) target_semaphore(%run_scoped3A : memref<!tpu.dma_semaphore, #tpu.memory_space<semaphore_mem>>)
      %dma_wait3A_35 = tpu.memref_slice %arg2[%add3A_4] : memref<65536xi32, #tpu.memory_space<hbm>> -> memref<512xi32, #tpu.memory_space<hbm>>
      %dma_wait3A_36 = tpu.memref_slice %arg2[%add3A_4] : memref<65536xi32, #tpu.memory_space<hbm>> -> memref<512xi32, #tpu.memory_space<hbm>>
      tpu.wait_dma2 semaphore(%run_scoped3A : memref<!tpu.dma_semaphore, #tpu.memory_space<semaphore_mem>>) src(%dma_wait3A_36 : memref<512xi32, #tpu.memory_space<hbm>>) dst(%arg5 : memref<512xi32, #tpu.memory_space<vmem>>)
      tpu.yield
    }) : () -> ()
    %dma_start3A = arith.constant 0 : i32
    %dma_start3A_5 = arith.constant 0 : i32
    %dma_start3A_6 = tpu.memref_slice %arg3[%dma_start3A, %dma_start3A_5] : memref<128x128xf32, #tpu.memory_space<hbm>> -> memref<128x128xf32, #tpu.memory_space<hbm>>
    tpu.enqueue_indirect_dma source(%dma_start3A_6 : memref<128x128xf32, #tpu.memory_space<hbm>>) target(%arg6 : memref<512x128xf32, #tpu.memory_space<vmem>>) offsets(%arg5 : memref<512xi32, #tpu.memory_space<vmem>>) semaphore(%arg7 : memref<!tpu.dma_semaphore, #tpu.memory_space<semaphore_mem>>)
    %dma_wait3A = arith.constant 0 : i32
    %dma_wait3A_7 = arith.constant 0 : i32
    %dma_wait3A_8 = tpu.memref_slice %arg3[%dma_wait3A, %dma_wait3A_7] : memref<128x128xf32, #tpu.memory_space<hbm>> -> memref<128x128xf32, #tpu.memory_space<hbm>>
    tpu.wait_indirect_dma semaphore(%arg7 : memref<!tpu.dma_semaphore, #tpu.memory_space<semaphore_mem>>) src(%dma_wait3A_8 : memref<128x128xf32, #tpu.memory_space<hbm>>) dst(%arg6 : memref<512x128xf32, #tpu.memory_space<vmem>>)
    "tpu.region"() ({
      %run_scoped3A = tpu.sem_alloc : memref<!tpu.dma_semaphore, #tpu.memory_space<semaphore_mem>>
      %dma_start3A_33 = arith.constant 0 : i32
      %dma_start3A_34 = tpu.memref_slice %arg4[%add3A_4, %dma_start3A_33] : memref<65536x128xf32, #tpu.memory_space<hbm>> -> memref<512x128xf32, #tpu.memory_space<hbm>>
      %dma_start3A_35 = arith.constant 0 : i32
      %dma_start3A_36 = tpu.memref_slice %arg4[%add3A_4, %dma_start3A_35] : memref<65536x128xf32, #tpu.memory_space<hbm>> -> memref<512x128xf32, #tpu.memory_space<hbm>>
      tpu.enqueue_dma source(%arg6 : memref<512x128xf32, #tpu.memory_space<vmem>>) target(%dma_start3A_36 : memref<512x128xf32, #tpu.memory_space<hbm>>) target_semaphore(%run_scoped3A : memref<!tpu.dma_semaphore, #tpu.memory_space<semaphore_mem>>)
      %dma_wait3A_37 = arith.constant 0 : i32
      %dma_wait3A_38 = tpu.memref_slice %arg4[%add3A_4, %dma_wait3A_37] : memref<65536x128xf32, #tpu.memory_space<hbm>> -> memref<512x128xf32, #tpu.memory_space<hbm>>
      %dma_wait3A_39 = arith.constant 0 : i32
      %dma_wait3A_40 = tpu.memref_slice %arg4[%add3A_4, %dma_wait3A_39] : memref<65536x128xf32, #tpu.memory_space<hbm>> -> memref<512x128xf32, #tpu.memory_space<hbm>>
      tpu.wait_dma2 semaphore(%run_scoped3A : memref<!tpu.dma_semaphore, #tpu.memory_space<semaphore_mem>>) src(%arg6 : memref<512x128xf32, #tpu.memory_space<vmem>>) dst(%dma_wait3A_40 : memref<512x128xf32, #tpu.memory_space<hbm>>)
      tpu.yield
    }) : () -> ()
    %add3A_9 = arith.constant 16384 : i32
    %add3A_10 = arith.addi %add3A_9, %mul3A_2 : i32
    "tpu.region"() ({
      %run_scoped3A = tpu.sem_alloc : memref<!tpu.dma_semaphore, #tpu.memory_space<semaphore_mem>>
      %dma_start3A_33 = tpu.memref_slice %arg2[%add3A_10] : memref<65536xi32, #tpu.memory_space<hbm>> -> memref<512xi32, #tpu.memory_space<hbm>>
      %dma_start3A_34 = tpu.memref_slice %arg2[%add3A_10] : memref<65536xi32, #tpu.memory_space<hbm>> -> memref<512xi32, #tpu.memory_space<hbm>>
      tpu.enqueue_dma source(%dma_start3A_34 : memref<512xi32, #tpu.memory_space<hbm>>) target(%arg5 : memref<512xi32, #tpu.memory_space<vmem>>) target_semaphore(%run_scoped3A : memref<!tpu.dma_semaphore, #tpu.memory_space<semaphore_mem>>)
      %dma_wait3A_35 = tpu.memref_slice %arg2[%add3A_10] : memref<65536xi32, #tpu.memory_space<hbm>> -> memref<512xi32, #tpu.memory_space<hbm>>
      %dma_wait3A_36 = tpu.memref_slice %arg2[%add3A_10] : memref<65536xi32, #tpu.memory_space<hbm>> -> memref<512xi32, #tpu.memory_space<hbm>>
      tpu.wait_dma2 semaphore(%run_scoped3A : memref<!tpu.dma_semaphore, #tpu.memory_space<semaphore_mem>>) src(%dma_wait3A_36 : memref<512xi32, #tpu.memory_space<hbm>>) dst(%arg5 : memref<512xi32, #tpu.memory_space<vmem>>)
      tpu.yield
    }) : () -> ()
    %dma_start3A_11 = arith.constant 0 : i32
    %dma_start3A_12 = arith.constant 0 : i32
    %dma_start3A_13 = tpu.memref_slice %arg3[%dma_start3A_11, %dma_start3A_12] : memref<128x128xf32, #tpu.memory_space<hbm>> -> memref<128x128xf32, #tpu.memory_space<hbm>>
    tpu.enqueue_indirect_dma source(%dma_start3A_13 : memref<128x128xf32, #tpu.memory_space<hbm>>) target(%arg6 : memref<512x128xf32, #tpu.memory_space<vmem>>) offsets(%arg5 : memref<512xi32, #tpu.memory_space<vmem>>) semaphore(%arg7 : memref<!tpu.dma_semaphore, #tpu.memory_space<semaphore_mem>>)
    %dma_wait3A_14 = arith.constant 0 : i32
    %dma_wait3A_15 = arith.constant 0 : i32
    %dma_wait3A_16 = tpu.memref_slice %arg3[%dma_wait3A_14, %dma_wait3A_15] : memref<128x128xf32, #tpu.memory_space<hbm>> -> memref<128x128xf32, #tpu.memory_space<hbm>>
    tpu.wait_indirect_dma semaphore(%arg7 : memref<!tpu.dma_semaphore, #tpu.memory_space<semaphore_mem>>) src(%dma_wait3A_16 : memref<128x128xf32, #tpu.memory_space<hbm>>) dst(%arg6 : memref<512x128xf32, #tpu.memory_space<vmem>>)
    "tpu.region"() ({
      %run_scoped3A = tpu.sem_alloc : memref<!tpu.dma_semaphore, #tpu.memory_space<semaphore_mem>>
      %dma_start3A_33 = arith.constant 0 : i32
      %dma_start3A_34 = tpu.memref_slice %arg4[%add3A_10, %dma_start3A_33] : memref<65536x128xf32, #tpu.memory_space<hbm>> -> memref<512x128xf32, #tpu.memory_space<hbm>>
      %dma_start3A_35 = arith.constant 0 : i32
      %dma_start3A_36 = tpu.memref_slice %arg4[%add3A_10, %dma_start3A_35] : memref<65536x128xf32, #tpu.memory_space<hbm>> -> memref<512x128xf32, #tpu.memory_space<hbm>>
      tpu.enqueue_dma source(%arg6 : memref<512x128xf32, #tpu.memory_space<vmem>>) target(%dma_start3A_36 : memref<512x128xf32, #tpu.memory_space<hbm>>) target_semaphore(%run_scoped3A : memref<!tpu.dma_semaphore, #tpu.memory_space<semaphore_mem>>)
      %dma_wait3A_37 = arith.constant 0 : i32
      %dma_wait3A_38 = tpu.memref_slice %arg4[%add3A_10, %dma_wait3A_37] : memref<65536x128xf32, #tpu.memory_space<hbm>> -> memref<512x128xf32, #tpu.memory_space<hbm>>
      %dma_wait3A_39 = arith.constant 0 : i32
      %dma_wait3A_40 = tpu.memref_slice %arg4[%add3A_10, %dma_wait3A_39] : memref<65536x128xf32, #tpu.memory_space<hbm>> -> memref<512x128xf32, #tpu.memory_space<hbm>>
      tpu.wait_dma2 semaphore(%run_scoped3A : memref<!tpu.dma_semaphore, #tpu.memory_space<semaphore_mem>>) src(%arg6 : memref<512x128xf32, #tpu.memory_space<vmem>>) dst(%dma_wait3A_40 : memref<512x128xf32, #tpu.memory_space<hbm>>)
      tpu.yield
    }) : () -> ()
    %add3A_17 = arith.constant 32768 : i32
    %add3A_18 = arith.addi %add3A_17, %mul3A_2 : i32
    "tpu.region"() ({
      %run_scoped3A = tpu.sem_alloc : memref<!tpu.dma_semaphore, #tpu.memory_space<semaphore_mem>>
      %dma_start3A_33 = tpu.memref_slice %arg2[%add3A_18] : memref<65536xi32, #tpu.memory_space<hbm>> -> memref<512xi32, #tpu.memory_space<hbm>>
      %dma_start3A_34 = tpu.memref_slice %arg2[%add3A_18] : memref<65536xi32, #tpu.memory_space<hbm>> -> memref<512xi32, #tpu.memory_space<hbm>>
      tpu.enqueue_dma source(%dma_start3A_34 : memref<512xi32, #tpu.memory_space<hbm>>) target(%arg5 : memref<512xi32, #tpu.memory_space<vmem>>) target_semaphore(%run_scoped3A : memref<!tpu.dma_semaphore, #tpu.memory_space<semaphore_mem>>)
      %dma_wait3A_35 = tpu.memref_slice %arg2[%add3A_18] : memref<65536xi32, #tpu.memory_space<hbm>> -> memref<512xi32, #tpu.memory_space<hbm>>
      %dma_wait3A_36 = tpu.memref_slice %arg2[%add3A_18] : memref<65536xi32, #tpu.memory_space<hbm>> -> memref<512xi32, #tpu.memory_space<hbm>>
      tpu.wait_dma2 semaphore(%run_scoped3A : memref<!tpu.dma_semaphore, #tpu.memory_space<semaphore_mem>>) src(%dma_wait3A_36 : memref<512xi32, #tpu.memory_space<hbm>>) dst(%arg5 : memref<512xi32, #tpu.memory_space<vmem>>)
      tpu.yield
    }) : () -> ()
    %dma_start3A_19 = arith.constant 0 : i32
    %dma_start3A_20 = arith.constant 0 : i32
    %dma_start3A_21 = tpu.memref_slice %arg3[%dma_start3A_19, %dma_start3A_20] : memref<128x128xf32, #tpu.memory_space<hbm>> -> memref<128x128xf32, #tpu.memory_space<hbm>>
    tpu.enqueue_indirect_dma source(%dma_start3A_21 : memref<128x128xf32, #tpu.memory_space<hbm>>) target(%arg6 : memref<512x128xf32, #tpu.memory_space<vmem>>) offsets(%arg5 : memref<512xi32, #tpu.memory_space<vmem>>) semaphore(%arg7 : memref<!tpu.dma_semaphore, #tpu.memory_space<semaphore_mem>>)
    %dma_wait3A_22 = arith.constant 0 : i32
    %dma_wait3A_23 = arith.constant 0 : i32
    %dma_wait3A_24 = tpu.memref_slice %arg3[%dma_wait3A_22, %dma_wait3A_23] : memref<128x128xf32, #tpu.memory_space<hbm>> -> memref<128x128xf32, #tpu.memory_space<hbm>>
    tpu.wait_indirect_dma semaphore(%arg7 : memref<!tpu.dma_semaphore, #tpu.memory_space<semaphore_mem>>) src(%dma_wait3A_24 : memref<128x128xf32, #tpu.memory_space<hbm>>) dst(%arg6 : memref<512x128xf32, #tpu.memory_space<vmem>>)
    "tpu.region"() ({
      %run_scoped3A = tpu.sem_alloc : memref<!tpu.dma_semaphore, #tpu.memory_space<semaphore_mem>>
      %dma_start3A_33 = arith.constant 0 : i32
      %dma_start3A_34 = tpu.memref_slice %arg4[%add3A_18, %dma_start3A_33] : memref<65536x128xf32, #tpu.memory_space<hbm>> -> memref<512x128xf32, #tpu.memory_space<hbm>>
      %dma_start3A_35 = arith.constant 0 : i32
      %dma_start3A_36 = tpu.memref_slice %arg4[%add3A_18, %dma_start3A_35] : memref<65536x128xf32, #tpu.memory_space<hbm>> -> memref<512x128xf32, #tpu.memory_space<hbm>>
      tpu.enqueue_dma source(%arg6 : memref<512x128xf32, #tpu.memory_space<vmem>>) target(%dma_start3A_36 : memref<512x128xf32, #tpu.memory_space<hbm>>) target_semaphore(%run_scoped3A : memref<!tpu.dma_semaphore, #tpu.memory_space<semaphore_mem>>)
      %dma_wait3A_37 = arith.constant 0 : i32
      %dma_wait3A_38 = tpu.memref_slice %arg4[%add3A_18, %dma_wait3A_37] : memref<65536x128xf32, #tpu.memory_space<hbm>> -> memref<512x128xf32, #tpu.memory_space<hbm>>
      %dma_wait3A_39 = arith.constant 0 : i32
      %dma_wait3A_40 = tpu.memref_slice %arg4[%add3A_18, %dma_wait3A_39] : memref<65536x128xf32, #tpu.memory_space<hbm>> -> memref<512x128xf32, #tpu.memory_space<hbm>>
      tpu.wait_dma2 semaphore(%run_scoped3A : memref<!tpu.dma_semaphore, #tpu.memory_space<semaphore_mem>>) src(%arg6 : memref<512x128xf32, #tpu.memory_space<vmem>>) dst(%dma_wait3A_40 : memref<512x128xf32, #tpu.memory_space<hbm>>)
      tpu.yield
    }) : () -> ()
    %add3A_25 = arith.constant 49152 : i32
    %add3A_26 = arith.addi %add3A_25, %mul3A_2 : i32
    "tpu.region"() ({
      %run_scoped3A = tpu.sem_alloc : memref<!tpu.dma_semaphore, #tpu.memory_space<semaphore_mem>>
      %dma_start3A_33 = tpu.memref_slice %arg2[%add3A_26] : memref<65536xi32, #tpu.memory_space<hbm>> -> memref<512xi32, #tpu.memory_space<hbm>>
      %dma_start3A_34 = tpu.memref_slice %arg2[%add3A_26] : memref<65536xi32, #tpu.memory_space<hbm>> -> memref<512xi32, #tpu.memory_space<hbm>>
      tpu.enqueue_dma source(%dma_start3A_34 : memref<512xi32, #tpu.memory_space<hbm>>) target(%arg5 : memref<512xi32, #tpu.memory_space<vmem>>) target_semaphore(%run_scoped3A : memref<!tpu.dma_semaphore, #tpu.memory_space<semaphore_mem>>)
      %dma_wait3A_35 = tpu.memref_slice %arg2[%add3A_26] : memref<65536xi32, #tpu.memory_space<hbm>> -> memref<512xi32, #tpu.memory_space<hbm>>
      %dma_wait3A_36 = tpu.memref_slice %arg2[%add3A_26] : memref<65536xi32, #tpu.memory_space<hbm>> -> memref<512xi32, #tpu.memory_space<hbm>>
      tpu.wait_dma2 semaphore(%run_scoped3A : memref<!tpu.dma_semaphore, #tpu.memory_space<semaphore_mem>>) src(%dma_wait3A_36 : memref<512xi32, #tpu.memory_space<hbm>>) dst(%arg5 : memref<512xi32, #tpu.memory_space<vmem>>)
      tpu.yield
    }) : () -> ()
    %dma_start3A_27 = arith.constant 0 : i32
    %dma_start3A_28 = arith.constant 0 : i32
    %dma_start3A_29 = tpu.memref_slice %arg3[%dma_start3A_27, %dma_start3A_28] : memref<128x128xf32, #tpu.memory_space<hbm>> -> memref<128x128xf32, #tpu.memory_space<hbm>>
    tpu.enqueue_indirect_dma source(%dma_start3A_29 : memref<128x128xf32, #tpu.memory_space<hbm>>) target(%arg6 : memref<512x128xf32, #tpu.memory_space<vmem>>) offsets(%arg5 : memref<512xi32, #tpu.memory_space<vmem>>) semaphore(%arg7 : memref<!tpu.dma_semaphore, #tpu.memory_space<semaphore_mem>>)
    %dma_wait3A_30 = arith.constant 0 : i32
    %dma_wait3A_31 = arith.constant 0 : i32
    %dma_wait3A_32 = tpu.memref_slice %arg3[%dma_wait3A_30, %dma_wait3A_31] : memref<128x128xf32, #tpu.memory_space<hbm>> -> memref<128x128xf32, #tpu.memory_space<hbm>>
    tpu.wait_indirect_dma semaphore(%arg7 : memref<!tpu.dma_semaphore, #tpu.memory_space<semaphore_mem>>) src(%dma_wait3A_32 : memref<128x128xf32, #tpu.memory_space<hbm>>) dst(%arg6 : memref<512x128xf32, #tpu.memory_space<vmem>>)
    "tpu.region"() ({
      %run_scoped3A = tpu.sem_alloc : memref<!tpu.dma_semaphore, #tpu.memory_space<semaphore_mem>>
      %dma_start3A_33 = arith.constant 0 : i32
      %dma_start3A_34 = tpu.memref_slice %arg4[%add3A_26, %dma_start3A_33] : memref<65536x128xf32, #tpu.memory_space<hbm>> -> memref<512x128xf32, #tpu.memory_space<hbm>>
      %dma_start3A_35 = arith.constant 0 : i32
      %dma_start3A_36 = tpu.memref_slice %arg4[%add3A_26, %dma_start3A_35] : memref<65536x128xf32, #tpu.memory_space<hbm>> -> memref<512x128xf32, #tpu.memory_space<hbm>>
      tpu.enqueue_dma source(%arg6 : memref<512x128xf32, #tpu.memory_space<vmem>>) target(%dma_start3A_36 : memref<512x128xf32, #tpu.memory_space<hbm>>) target_semaphore(%run_scoped3A : memref<!tpu.dma_semaphore, #tpu.memory_space<semaphore_mem>>)
      %dma_wait3A_37 = arith.constant 0 : i32
      %dma_wait3A_38 = tpu.memref_slice %arg4[%add3A_26, %dma_wait3A_37] : memref<65536x128xf32, #tpu.memory_space<hbm>> -> memref<512x128xf32, #tpu.memory_space<hbm>>
      %dma_wait3A_39 = arith.constant 0 : i32
      %dma_wait3A_40 = tpu.memref_slice %arg4[%add3A_26, %dma_wait3A_39] : memref<65536x128xf32, #tpu.memory_space<hbm>> -> memref<512x128xf32, #tpu.memory_space<hbm>>
      tpu.wait_dma2 semaphore(%run_scoped3A : memref<!tpu.dma_semaphore, #tpu.memory_space<semaphore_mem>>) src(%arg6 : memref<512x128xf32, #tpu.memory_space<vmem>>) dst(%dma_wait3A_40 : memref<512x128xf32, #tpu.memory_space<hbm>>)
      tpu.yield
    }) : () -> ()
    return
  }
}

module attributes {stable_mosaic.version = 14 : i64} {
  func.func @_tc_body(%arg0: i32, %arg1: memref<4x1x4096x128xf32, #tpu.memory_space<vmem>>, %arg2: memref<4096xf32, #tpu.memory_space<vmem>>, %arg3: memref<4096xf32, #tpu.memory_space<vmem>>, %arg4: memref<4x64xf32, #tpu.memory_space<vmem>>, %arg5: memref<192x256xf32, #tpu.memory_space<vmem>>, %arg6: memref<256xf32, #tpu.memory_space<vmem>>, %arg7: memref<256x128xf32, #tpu.memory_space<vmem>>, %arg8: memref<128xf32, #tpu.memory_space<vmem>>, %arg9: memref<128x32xf32, #tpu.memory_space<vmem>>, %arg10: memref<32xf32, #tpu.memory_space<vmem>>, %arg11: memref<4096x32xf32, #tpu.memory_space<vmem>>) attributes {dimension_semantics = [#tpu.dimension_semantics<arbitrary>], iteration_bounds = array<i64: 4>, scalar_prefetch = 0 : i64, scratch_operands = 0 : i64, tpu.core_type = #tpu.core_type<tc>, window_params = [{transform_indices = @transform_0, window_bounds = array<i64: 4, 1, 4096, 128>}, {transform_indices = @transform_1, window_bounds = array<i64: 4096>}, {transform_indices = @transform_2, window_bounds = array<i64: 4096>}, {pipeline_mode = #tpu.pipeline_mode<synchronous>, transform_indices = @transform_3, window_bounds = array<i64: 4, 64>}, {pipeline_mode = #tpu.pipeline_mode<synchronous>, transform_indices = @transform_4, window_bounds = array<i64: 192, 256>}, {pipeline_mode = #tpu.pipeline_mode<synchronous>, transform_indices = @transform_5, window_bounds = array<i64: 256>}, {pipeline_mode = #tpu.pipeline_mode<synchronous>, transform_indices = @transform_6, window_bounds = array<i64: 256, 128>}, {pipeline_mode = #tpu.pipeline_mode<synchronous>, transform_indices = @transform_7, window_bounds = array<i64: 128>}, {pipeline_mode = #tpu.pipeline_mode<synchronous>, transform_indices = @transform_8, window_bounds = array<i64: 128, 32>}, {pipeline_mode = #tpu.pipeline_mode<synchronous>, transform_indices = @transform_9, window_bounds = array<i64: 32>}, {transform_indices = @transform_10, window_bounds = array<i64: 4096, 32>}]} {
    %get3A = arith.constant 0 : index
    %get3A_0 = arith.constant 0 : index
    %get3A_1 = arith.constant 0 : index
    %get3A_2 = arith.constant 0 : index
    %get3A_3 = vector.load %arg1[%get3A, %get3A_0, %get3A_1, %get3A_2] : memref<4x1x4096x128xf32, #tpu.memory_space<vmem>>, vector<1x1x4096x128xf32>
    %get3A_4 = vector.shape_cast %get3A_3 : vector<1x1x4096x128xf32> to vector<4096x128xf32>
    %get3A_5 = arith.constant 1 : index
    %get3A_6 = arith.constant 0 : index
    %get3A_7 = arith.constant 0 : index
    %get3A_8 = arith.constant 0 : index
    %get3A_9 = vector.load %arg1[%get3A_5, %get3A_6, %get3A_7, %get3A_8] : memref<4x1x4096x128xf32, #tpu.memory_space<vmem>>, vector<1x1x4096x128xf32>
    %get3A_10 = vector.shape_cast %get3A_9 : vector<1x1x4096x128xf32> to vector<4096x128xf32>
    %add3A = arith.addf %get3A_4, %get3A_10 : vector<4096x128xf32>
    %get3A_11 = arith.constant 2 : index
    %get3A_12 = arith.constant 0 : index
    %get3A_13 = arith.constant 0 : index
    %get3A_14 = arith.constant 0 : index
    %get3A_15 = vector.load %arg1[%get3A_11, %get3A_12, %get3A_13, %get3A_14] : memref<4x1x4096x128xf32, #tpu.memory_space<vmem>>, vector<1x1x4096x128xf32>
    %get3A_16 = vector.shape_cast %get3A_15 : vector<1x1x4096x128xf32> to vector<4096x128xf32>
    %add3A_17 = arith.addf %add3A, %get3A_16 : vector<4096x128xf32>
    %get3A_18 = arith.constant 3 : index
    %get3A_19 = arith.constant 0 : index
    %get3A_20 = arith.constant 0 : index
    %get3A_21 = arith.constant 0 : index
    %get3A_22 = vector.load %arg1[%get3A_18, %get3A_19, %get3A_20, %get3A_21] : memref<4x1x4096x128xf32, #tpu.memory_space<vmem>>, vector<1x1x4096x128xf32>
    %get3A_23 = vector.shape_cast %get3A_22 : vector<1x1x4096x128xf32> to vector<4096x128xf32>
    %add3A_24 = arith.addf %add3A_17, %get3A_23 : vector<4096x128xf32>
    %get3A_25 = arith.constant 0 : index
    %get3A_26 = arith.constant 0 : index
    %get3A_27 = vector.load %arg5[%get3A_25, %get3A_26] : memref<192x256xf32, #tpu.memory_space<vmem>>, vector<128x256xf32>
    %dot_general3A = arith.constant dense<0.000000e+00> : vector<4096x256xf32>
    %dot_general3A_28 = tpu.matmul %add3A_24, %get3A_27, %dot_general3A {dimension_numbers = #tpu.dot_dimension_numbers<[1], [0], [0], [1], [0, 0, 1, 1], [], []>, transpose_lhs_hint = false} : vector<4096x128xf32>, vector<128x256xf32>, vector<4096x256xf32> -> vector<4096x256xf32>
    %get3A_29 = arith.constant 0 : index
    %get3A_30 = arith.constant 0 : index
    %get3A_31 = vector.load %arg4[%get3A_29, %get3A_30] : memref<4x64xf32, #tpu.memory_space<vmem>>, vector<4x64xf32>
    %get3A_32 = arith.constant 128 : index
    %get3A_33 = arith.constant 0 : index
    %get3A_34 = vector.load %arg5[%get3A_32, %get3A_33] : memref<192x256xf32, #tpu.memory_space<vmem>>, vector<64x256xf32>
    %dot_general3A_35 = arith.constant dense<0.000000e+00> : vector<4x256xf32>
    %dot_general3A_36 = tpu.matmul %get3A_31, %get3A_34, %dot_general3A_35 {dimension_numbers = #tpu.dot_dimension_numbers<[1], [0], [0], [1], [0, 0, 1, 1], [], []>, transpose_lhs_hint = false} : vector<4x64xf32>, vector<64x256xf32>, vector<4x256xf32> -> vector<4x256xf32>
    %get3A_37 = arith.constant 0 : index
    %get3A_38 = vector.load %arg2[%get3A_37] : memref<4096xf32, #tpu.memory_space<vmem>>, vector<4096xf32>
    %get3A_39 = arith.constant 0 : index
    %get3A_40 = vector.load %arg3[%get3A_39] : memref<4096xf32, #tpu.memory_space<vmem>>, vector<4096xf32>
    %stack3A = vector.shape_cast %get3A_38 : vector<4096xf32> to vector<1x4096xf32>
    %stack3A_41 = vector.shape_cast %get3A_40 : vector<4096xf32> to vector<1x4096xf32>
    %stack3A_42 = tpu.concatenate %stack3A, %stack3A_41 in 0 : vector<1x4096xf32>, vector<1x4096xf32> -> vector<2x4096xf32>
    %slice3A = vector.extract_strided_slice %dot_general3A_36 {offsets = [0, 0], sizes = [2, 256], strides = [1, 1]} : vector<4x256xf32> to vector<2x256xf32>
    %dot_general3A_43 = arith.constant dense<0.000000e+00> : vector<4096x256xf32>
    %dot_general3A_44 = tpu.matmul %stack3A_42, %slice3A, %dot_general3A_43 {dimension_numbers = #tpu.dot_dimension_numbers<[0], [0], [1], [1], [0, 1, 1, 1], [], []>, transpose_lhs_hint = false} : vector<2x4096xf32>, vector<2x256xf32>, vector<4096x256xf32> -> vector<4096x256xf32>
    %add3A_45 = arith.addf %dot_general3A_28, %dot_general3A_44 : vector<4096x256xf32>
    %get3A_46 = arith.constant 0 : index
    %get3A_47 = vector.load %arg6[%get3A_46] : memref<256xf32, #tpu.memory_space<vmem>>, vector<256xf32>
    %broadcast_in_dim3A = vector.shape_cast %get3A_47 : vector<256xf32> to vector<1x256xf32>
    %slice3A_48 = vector.extract_strided_slice %dot_general3A_36 {offsets = [2, 0], sizes = [1, 256], strides = [1, 1]} : vector<4x256xf32> to vector<1x256xf32>
    %add3A_49 = arith.addf %broadcast_in_dim3A, %slice3A_48 : vector<1x256xf32>
    %slice3A_50 = vector.extract_strided_slice %dot_general3A_36 {offsets = [3, 0], sizes = [1, 256], strides = [1, 1]} : vector<4x256xf32> to vector<1x256xf32>
    %add3A_51 = arith.addf %add3A_49, %slice3A_50 : vector<1x256xf32>
    %add3A_52 = vector.broadcast %add3A_51 : vector<1x256xf32> to vector<4096x256xf32>
    %add3A_53 = arith.addf %add3A_45, %add3A_52 : vector<4096x256xf32>
    %max3A = arith.constant 0.000000e+00 : f32
    %max3A_54 = vector.broadcast %max3A : f32 to vector<4096x256xf32>
    %max3A_55 = arith.maximumf %add3A_53, %max3A_54 : vector<4096x256xf32>
    %get3A_56 = arith.constant 0 : index
    %get3A_57 = arith.constant 0 : index
    %get3A_58 = vector.load %arg7[%get3A_56, %get3A_57] : memref<256x128xf32, #tpu.memory_space<vmem>>, vector<256x128xf32>
    %dot_general3A_59 = arith.constant dense<0.000000e+00> : vector<4096x128xf32>
    %dot_general3A_60 = tpu.matmul %max3A_55, %get3A_58, %dot_general3A_59 {dimension_numbers = #tpu.dot_dimension_numbers<[1], [0], [0], [1], [0, 0, 1, 1], [], []>, transpose_lhs_hint = false} : vector<4096x256xf32>, vector<256x128xf32>, vector<4096x128xf32> -> vector<4096x128xf32>
    %get3A_61 = arith.constant 0 : index
    %get3A_62 = vector.load %arg8[%get3A_61] : memref<128xf32, #tpu.memory_space<vmem>>, vector<128xf32>
    %broadcast_in_dim3A_63 = vector.shape_cast %get3A_62 : vector<128xf32> to vector<1x128xf32>
    %add3A_64 = vector.broadcast %broadcast_in_dim3A_63 : vector<1x128xf32> to vector<4096x128xf32>
    %add3A_65 = arith.addf %dot_general3A_60, %add3A_64 : vector<4096x128xf32>
    %max3A_66 = arith.constant 0.000000e+00 : f32
    %max3A_67 = vector.broadcast %max3A_66 : f32 to vector<4096x128xf32>
    %max3A_68 = arith.maximumf %add3A_65, %max3A_67 : vector<4096x128xf32>
    %get3A_69 = arith.constant 0 : index
    %get3A_70 = arith.constant 0 : index
    %get3A_71 = vector.load %arg9[%get3A_69, %get3A_70] : memref<128x32xf32, #tpu.memory_space<vmem>>, vector<128x32xf32>
    %dot_general3A_72 = arith.constant dense<0.000000e+00> : vector<4096x32xf32>
    %dot_general3A_73 = tpu.matmul %max3A_68, %get3A_71, %dot_general3A_72 {dimension_numbers = #tpu.dot_dimension_numbers<[1], [0], [0], [1], [0, 0, 1, 1], [], []>, transpose_lhs_hint = false} : vector<4096x128xf32>, vector<128x32xf32>, vector<4096x32xf32> -> vector<4096x32xf32>
    %get3A_74 = arith.constant 0 : index
    %get3A_75 = vector.load %arg10[%get3A_74] : memref<32xf32, #tpu.memory_space<vmem>>, vector<32xf32>
    %broadcast_in_dim3A_76 = vector.shape_cast %get3A_75 : vector<32xf32> to vector<1x32xf32>
    %add3A_77 = vector.broadcast %broadcast_in_dim3A_76 : vector<1x32xf32> to vector<4096x32xf32>
    %add3A_78 = arith.addf %dot_general3A_73, %add3A_77 : vector<4096x32xf32>
    %swap3A = arith.constant 0 : index
    %swap3A_79 = arith.constant 0 : index
    %swap3A_80 = vector.load %arg11[%swap3A, %swap3A_79] : memref<4096x32xf32, #tpu.memory_space<vmem>>, vector<4096x32xf32>
    tpu.vector_store %arg11[%swap3A, %swap3A_79], %add3A_78 {strides = array<i32>} : memref<4096x32xf32, #tpu.memory_space<vmem>>, vector<4096x32xf32>,
    return
  }
  func.func @transform_0(%arg0: i32) -> (i32, i32, i32, i32) {
    %c0_i32 = arith.constant 0 : i32
    %c0_i32_0 = arith.constant 0 : i32
    %c0_i32_1 = arith.constant 0 : i32
    %c0_i32_2 = arith.constant 0 : i32
    return %c0_i32, %arg0, %c0_i32_0, %c0_i32_1 : i32, i32, i32, i32
  }
  func.func @transform_1(%arg0: i32) -> i32 {
    %c0_i32 = arith.constant 0 : i32
    return %arg0 : i32
  }
  func.func @transform_2(%arg0: i32) -> i32 {
    %c0_i32 = arith.constant 0 : i32
    return %arg0 : i32
  }
  func.func @transform_3(%arg0: i32) -> (i32, i32) {
    %c0_i32 = arith.constant 0 : i32
    %c0_i32_0 = arith.constant 0 : i32
    %c0_i32_1 = arith.constant 0 : i32
    return %c0_i32, %c0_i32_0 : i32, i32
  }
  func.func @transform_4(%arg0: i32) -> (i32, i32) {
    %c0_i32 = arith.constant 0 : i32
    %c0_i32_0 = arith.constant 0 : i32
    %c0_i32_1 = arith.constant 0 : i32
    return %c0_i32, %c0_i32_0 : i32, i32
  }
  func.func @transform_5(%arg0: i32) -> i32 {
    %c0_i32 = arith.constant 0 : i32
    %c0_i32_0 = arith.constant 0 : i32
    return %c0_i32 : i32
  }
  func.func @transform_6(%arg0: i32) -> (i32, i32) {
    %c0_i32 = arith.constant 0 : i32
    %c0_i32_0 = arith.constant 0 : i32
    %c0_i32_1 = arith.constant 0 : i32
    return %c0_i32, %c0_i32_0 : i32, i32
  }
  func.func @transform_7(%arg0: i32) -> i32 {
    %c0_i32 = arith.constant 0 : i32
    %c0_i32_0 = arith.constant 0 : i32
    return %c0_i32 : i32
  }
  func.func @transform_8(%arg0: i32) -> (i32, i32) {
    %c0_i32 = arith.constant 0 : i32
    %c0_i32_0 = arith.constant 0 : i32
    %c0_i32_1 = arith.constant 0 : i32
    return %c0_i32, %c0_i32_0 : i32, i32
  }
  func.func @transform_9(%arg0: i32) -> i32 {
    %c0_i32 = arith.constant 0 : i32
    %c0_i32_0 = arith.constant 0 : i32
    return %c0_i32 : i32
  }
  func.func @transform_10(%arg0: i32) -> (i32, i32) {
    %c0_i32 = arith.constant 0 : i32
    %c0_i32_0 = arith.constant 0 : i32
    return %arg0, %c0_i32 : i32, i32
  }
}

</mosaic_0001>

<sc_bundles>
// kernel: kernel.4.cloned.1.call-start
scs
__scs_entry_jumppad:
0x0: {  	(pc) =	sbr.rel $0x88, $3  }
0x1: {  	(tag) =	ssettag $0x0;
	lr =	simm.s32 $0x1  }
0x2: {  	[smem:$0x3F8D] =	sst lr;
	_ =	strace $0xD0000000  }
0x3: {  	_ = 	snop  }
0x4: {  	_ = 	snop  }
0x5: {  	_ = 	snop  }
0x6: {  	_ = 	snop  }
0x7: {  	_ = 	snop  }
__scs_overlays_trampoline_lowered:
0x8: {  	[smem:$0x3F9C] =	sst s0  }
0x9: {  	[smem:$0x3F9D] =	sst s1  }
0xa: {  	[smem:$0x3F9E] =	sst s2  }
0xb: {  	[smem:$0x3F9F] =	sst s3  }
0xc: {  	[smem:$0x3FA0] =	sst s4  }
0xd: {  	[smem:$0x3FA1] =	sst s5  }
0xe: {  	[smem:$0x3FA2] =	sst s6  }
0xf: {  	[smem:$0x3FA3] =	sst s7  }
0x10: {  	[smem:$0x3FA4] =	sst s8  }
0x11: {  	[smem:$0x3FA5] =	sst s9;
	s0 =	simm.s32 @!p0 $0x0  }
0x12: {  	s1 =	sld [smem:$0x3F8B];
	s0 =	simm.s32 @p0 $0x1  }
0x13: {  	[smem:$0x3FA6] =	sst s0;
	s0 =	simm.s32 @!p1 $0x0  }
0x14: {  	s2 =	sld [smem:$0x3F8A];
	s0 =	simm.s32 @p1 $0x1  }
0x15: {  	[smem:$0x3FA7] =	sst s0;
	s0 =	simm.s32 @!p2 $0x0  }
0x16: {  	s3 =	sld [smem:$0x3FDB];
	s0 =	simm.s32 @p2 $0x1  }
0x17: {  	s4 =	simm.s32 $0x1BF5;
	[smem:$0x3FA9] =	sst s0  }
0x18: {  	s0 =	sld [smem:$0x3F8C];
	_ =	swait.ge [sflag:s4], $0x0  }
0x19: {  	s7 =	sld [smem:$0x3F8D]  }
0x1a: {  	s8 =	sadd.s32 $0xFFFFE003, lr  }
0x1b: {  	s9 =	sadd.s32 $0xFFFFFEF7, lr;
	s5 =	simm.s32 $0xFFFFFFFF;
	p2 =	slt.u32 s8, $0xFFFFF086  }
0x1c: {  	p1 =	slt.u32 s9, $0xF7A;
	s5 =	simm.s32 @!p2 $0x0  }
0x1d: {  	s5 =	simm.s32 @p1 $0x1;
	p0 =	seq.s32 s7, s2  }
0x1e: {  	s7 =	smul.u32 @!p0 $0xF7A, s2;
	p2 =	seq.s32 @!p0 s5, $0x0  }
0x1f: {  	s9 =	smul.u32 $0xF7A, s1;
	s8 =	simm.s32 @!p0 $0x1BF5;
	p2 =	por !p2, p0  }
0x20: {  	[sflag:s8] =	ssyncset.s32 @!p0 $0xFFFFF086;
	s6 =	sadd.s32 @!p0 s3, s7;
	s7 =	simm.s32 @!p0 $0x108  }
0x21: {  	s3 =	sadd.s32 s3, s9;
	s6 =	sadd.s32 @!p0 $0x88, s6;
	s7 =	simm.s32 @p2 $0x1082  }
0x22: {  	[simem:s7], [sflag:s8] =	dma.local @!p0 [hbm:s6], $0xF7A  }
0x23: {  	s9 =	sor.u32 $0xD0000000, s2;
	s6 =	simm.s32 $0x108;
	_ =	swait.ge @!p0 [sflag:s8], $0x0  }
0x24: {  	s3 =	sadd.s32 $0x88, s3;
	s6 =	simm.s32 @!p1 $0x1082;
	[sflag:s4] =	ssyncset.s32 $0xFFFFF086  }
0x25: {  	[simem:s6], [sflag:s4] =	dma.local [hbm:s3], $0xF7A  }
0x26: {  	[smem:$0x3F8D] =	sst s1;
	(tag) =	ssettag s2;
	_ =	strace s9  }
0x27: {  	s1 =	sld [smem:$0x3F9D]  }
0x28: {  	s2 =	sld [smem:$0x3F9E]  }
0x29: {  	s4 =	sld [smem:$0x3FA0]  }
0x2a: {  	p0 =	seq.s32 s5, $0x0;
	s5 =	sld [smem:$0x3FA1]  }
0x2b: {  	s6 =	sld [smem:$0x3FA2]  }
0x2c: {  	s7 =	sld [smem:$0x3FA3]  }
0x2d: {  	s3 =	simm.s32 $0x108;
	s8 =	sld [smem:$0x3FA4]  }
0x2e: {  	s3 =	simm.s32 @!p0 $0x1082;
	s9 =	sld [smem:$0x3FA5]  }
0x2f: {  	lr =	sadd.s32 s0, s3;
	s0 =	sld [smem:$0x3F9C]  }
0x30: {  	s3 =	sld [smem:$0x3F9F]  }
0x31: {  	[smem:$0x3FA8] =	sst s10  }
0x32: {  	s10 =	sld [smem:$0x3FA6];
	_ =	sdelay $0x3  }
0x33: {  	p0 =	seq.s32 s10, $0x1;
	s10 =	sld [smem:$0x3FA8];
	_ =	sdelay $0x3  }
0x34: {  	[smem:$0x3FA8] =	sst s10  }
0x35: {  	s10 =	sld [smem:$0x3FA7];
	_ =	sdelay $0x3  }
0x36: {  	p1 =	seq.s32 s10, $0x1;
	s10 =	sld [smem:$0x3FA8];
	_ =	sdelay $0x3  }
0x37: {  	[smem:$0x3FA8] =	sst s10  }
0x38: {  	s10 =	sld [smem:$0x3FA9]  }
0x39: {  	_ = 	snop;
	(pc) =	sbr.ind lr, $3  }
0x3a: {  	_ = 	snop  }
0x3b: {  	_ = 	snop  }
0x3c: {  	p2 =	seq.s32 s10, $0x1;
	s10 =	sld [smem:$0x3FA8]  }
0x3d: {  	_ =	shalt  }
0x3e: {  	_ =	shalt  }
0x3f: {  	_ =	shalt  }
0x40: {  	_ =	shalt  }
0x41: {  	_ =	shalt  }
0x42: {  	_ =	shalt  }
0x43: {  	_ =	shalt  }
0x44: {  	_ =	shalt  }
0x45: {  	_ =	shalt  }
0x46: {  	_ =	shalt  }
0x47: {  	_ =	shalt  }
0x48: {  	_ =	shalt  }
0x49: {  	_ =	shalt  }
0x4a: {  	_ =	shalt  }
0x4b: {  	_ =	shalt  }
0x4c: {  	_ =	shalt  }
0x4d: {  	_ =	shalt  }
0x4e: {  	_ =	shalt  }
0x4f: {  	_ =	shalt  }
0x50: {  	_ =	shalt  }
0x51: {  	_ =	shalt  }
0x52: {  	_ =	shalt  }
0x53: {  	_ =	shalt  }
0x54: {  	_ =	shalt  }
0x55: {  	_ =	shalt  }
0x56: {  	_ =	shalt  }
0x57: {  	_ =	shalt  }
0x58: {  	_ =	shalt  }
0x59: {  	_ =	shalt  }
0x5a: {  	_ =	shalt  }
0x5b: {  	_ =	shalt  }
0x5c: {  	_ =	shalt  }
0x5d: {  	_ =	shalt  }
0x5e: {  	_ =	shalt  }
0x5f: {  	_ =	shalt  }
0x60: {  	_ =	shalt  }
0x61: {  	_ =	shalt  }
0x62: {  	_ =	shalt  }
0x63: {  	_ =	shalt  }
0x64: {  	_ =	shalt  }
0x65: {  	_ =	shalt  }
0x66: {  	_ =	shalt  }
0x67: {  	_ =	shalt  }
0x68: {  	_ =	shalt  }
0x69: {  	_ =	shalt  }
0x6a: {  	_ =	shalt  }
0x6b: {  	_ =	shalt  }
0x6c: {  	_ =	shalt  }
0x6d: {  	_ =	shalt  }
0x6e: {  	_ =	shalt  }
0x6f: {  	_ =	shalt  }
0x70: {  	_ =	shalt  }
0x71: {  	_ =	shalt  }
0x72: {  	_ =	shalt  }
0x73: {  	_ =	shalt  }
0x74: {  	_ =	shalt  }
0x75: {  	_ =	shalt  }
0x76: {  	_ =	shalt  }
0x77: {  	_ =	shalt  }
0x78: {  	_ =	shalt  }
0x79: {  	_ =	shalt  }
0x7a: {  	_ =	shalt  }
0x7b: {  	_ =	shalt  }
0x7c: {  	_ =	shalt  }
0x7d: {  	_ =	shalt  }
0x7e: {  	_ =	shalt  }
0x7f: {  	_ =	shalt  }
0x80: {  	_ =	shalt  }
0x81: {  	_ =	shalt  }
0x82: {  	_ =	shalt  }
0x83: {  	_ =	shalt  }
0x84: {  	_ =	shalt  }
0x85: {  	_ =	shalt  }
0x86: {  	_ =	shalt  }
0x87: {  	_ =	shalt  }
.Lfunc_end0:
.L_simem_size_0:
called_computation_lowered:
.L_overlay_start_0:
0x88: {  	s2 =	sld [smem:$0x3FD9]  }
0x89: {  	s3 =	sld [smem:$0x3FFE];
	_ =	sdelay $0x1  }
0x8a: {  	s1 =	srdreg.scid  }
0x8b: {  	s0 =	sand.u32 $0x1, s1  }
0x8c: {  	s17 =	sshll.u32 s0, $0xA;
	s2 =	sadd.s32 s3, s2  }
0x8d: {  	s2 =	sadd.s32 s2, s17  }
0x8e: {  	[smem:$0x3FB4] =	sst s2  }
0x8f: {  	_ = 	snop  }
0x90: {  	s2 =	sld [smem:$0x3FD0];
	(tm) =	ssettm $0x1  }
0x91: {  	s18 =	sld [smem:$0x3FFB];
	_ =	sdelay $0x3  }
0x92: {  	_ =	strace s18  }
0x93: {  	s3 =	sld [smem:$0x3FFC];
	_ =	sdelay $0x3  }
0x94: {  	_ =	strace s3  }
0x95: {  	s3 =	sld [smem:$0x3FFD];
	_ =	sdelay $0x3  }
0x96: {  	_ =	strace s3  }
0x97: {  	_ =	strace $0x8FFFFFFF  }
0x98: {  	s19 =	sld [smem:$0x3FDB];
	_ =	sdelay $0x1  }
0x99: {  	s4 =	simm.s32 $_scs_section_size  }
0x9a: {  	s5 =	simm.s32 $_size__tile_overlayer_lowered;
	s6 =	simm.s32 $_tile_overlayer_lowered  }
0x9b: {  	s22 =	simm.s32 $0x1BFF;
	s21 =	sshll.u32 s6, $0x1;
	s3 =	sadd.s32 s4, s19  }
0x9c: {  	s7 =	simm.s32 $0x0;
	s20 =	sshll.u32 s5, $0x1;
	s5 =	sadd.s32 s21, s3  }
0x9d: {  	[timem:s7], [sflag:s22] =	dma.local [hbm:s5], s20  }
0x9e: {  	_ =	swait.ge [sflag:s22], s20  }
0x9f: {  	s4 =	ssub.s32 $0x0, s20;
	[sflag:s22] =	ssyncset.done $0x0  }
0xa0: {  	[sflag:s22] =	ssyncadd.s32 s4;
	_ =	sdelay $0x1  }
0xa1: {  	s23 =	simm.s32 $0x1B8B  }
0xa2: {  	_ =	swait.ge [sflag:s23], $0x1  }
0xa3: {  	[sflag:s23] =	ssyncset.done $0x0  }
0xa4: {  	s25 =	simm.s32 $0x1B8E;
	s24 =	sld [smem:$0x3FFE];
	[sflag:s23] =	ssyncadd.s32 $0xFFFFFFFF  }
0xa5: {  	s26 =	simm.s32 $execute0_lowered;
	[smem:$0x3FD2] =	sst s25  }
0xa6: {  	s5 =	sshll.u32 s26, $0x1;
	_ =	strace $0x80000046;
	[dreg:$0x1] =	wrdreg $0xFFFFFFFF  }
0xa7: {  	s28 =	simm.s32 $_size_execute0_lowered;
	s3 =	sadd.s32 s3, s5;
	[dreg:$0x0] =	wrdreg $0x0  }
0xa8: {  	s5 =	sshll.u32 s28, $0x1;
	[dreg:$0x2] =	wrdreg s3  }
0xa9: {  	[dreg:$0x3] =	wrdreg s5  }
0xaa: {  	[dreg:$0x4] =	wrdreg $0xC0  }
0xab: {  	_ =	task [dreg:s7], $0x5FFFF  }
0xac: {  	[dreg:$0x1] =	wrdreg $0xFFFFFFFF  }
0xad: {  	[dreg:$0x0] =	wrdreg $0x60  }
0xae: {  	[dreg:$0x2] =	wrdreg s2  }
0xaf: {  	[dreg:$0x3] =	wrdreg s24  }
0xb0: {  	[dreg:$0x4] =	wrdreg $0x9  }
0xb1: {  	_ =	task.clear_ibuf [dreg:s7], $0x5FFFF;
	_ =	strace $0x90000046  }
0xb2: {  	s29 =	simm.s32 $0x9;
	_ =	strace $0x80000048  }
0xb3: {  	_ =	swait.ge [sflag:s29], $0x1  }
0xb4: {  	[sflag:s29] =	ssyncadd.s32 $0xFFFFFFFF  }
0xb5: {  	_ =	strace $0x90000048  }
0xb6: {  	_ =	sfence  }
0xb7: {  	s30 =	sld [smem:$0x0];
	_ =	sdelay $0x2  }
0xb8: {  	s31 =	sshll.u32 s1, $0xD;
	s1 =	sshrl.u32 s1, $0x2  }
0xb9: {  	s3 =	sand.u32 $0x4000, s31;
	s1 =	sadd.s32 s1, s30  }
0xba: {  	s0 =	sor.u32 s3, s0;
	s1 =	sshll.u32 s1, $0x11  }
0xbb: {  	s0 =	sor.u32 s1, s0  }
0xbc: {  	s0 =	sadd.s32 $0x8F2B, s0  }
0xbd: {  	[sflag:s0] =	ssyncadd.remote.s32 $0x1  }
0xbe: {  	_ =	sfence.sel $0xFFFF  }
0xbf: {  	[dreg:$0x0] =	wrdreg $0xFFFFFFFF;
	(pc) =	sbr.abs _section_cstart, $3  }
0xc0: {  	[dreg:$0x1] =	wrdreg $0xFFFFFFFF  }
0xc1: {  	_ =	task.clear_ibuf [dreg:s7], $0x2FFFF;
	_ =	strace $0x9FFFFFFF  }
0xc2: {  	(tm) =	ssettm $0x7FFFFFFF  }
0xc3: {  	_ =	shalt  }
tec
execute0_lowered:
.L_overlay_start_1:
0x0: {  	(tag) =	ssettag $0x1  }
0x1: {  	s1 =	srdreg.scid  }
0x2: {  	s13 =	rddreg [dreg:$0x0];
	s0 =	stileid.u32;
	s14 =	sand.u32 $0x1, s1  }
0x3: {  	s8 =	rddreg [dreg:$0x1];
	s3 =	sshll.u32 s0, $0xA;
	s4 =	sshll.u32 s14, $0x9  }
0x4: {  	s2 =	simm.s32 $0x0;
	s1 =	rddreg [dreg:$0x2];
	s15 =	sor.u32 s4, s3  }
0x5: {  	[smem:$0x7FF] =	sst s2;
	s3 =	sshrl.u32 s15, $0x3  }
0x6: {  	_ =	strace $0x80000047;
	s4 =	sadd.s32 s13, s3;
	s3 =	simm.s32 $0x2  }
0x7: {  	[tilespmem:s2], [sflag:$0x2] =	stream.linear.gather [hbm4b:s4+s2], $0x200, $0x38;
	[tilespmem:$0x10200] =	vst v63  }
0x8: {  	_ =	swait.ge [sflag:s3], $0x200  }
0x9: {  	s6 =	simm.s32 $0x200;
	[sflag:s3] =	ssyncset.done $0x0  }
0xa: {  	s7 =	simm.s32 $0x1;
	s5 =	sadd.s32 $0x2000, s8;
	[sflag:s3] =	ssyncadd.s32 $0xFFFFFE00  }
0xb: {  	[tilespmem:s6], [sflag:$0x1] =	stream.indirect.gather [hbm4b:s5+s6], $0x80, s2, s6, $0xb8;
	[tilespmem:$0x10200] =	vst v63  }
0xc: {  	_ =	swait.ge [sflag:s7], $0x10000  }
0xd: {  	s16 =	sadd.s32 $0x2800, s8;
	s28 =	sshll.u32 s15, $0x4;
	[sflag:s7] =	ssyncset.done $0x0  }
0xe: {  	s8 =	sadd.s32 s16, s28;
	[sflag:s7] =	ssyncadd.s32 $0xFFFF0000  }
0xf: {  	[hbm4b:s8+s2] =	stream.linear.scatter [tilespmem:s6], [sflag:$0x2], $0x10000, $0x38;
	[tilespmem:$0x10200] =	vst v63  }
0x10: {  	s10 =	sor.u32 $0x4000, s15;
	_ =	swait.ge [sflag:s3], $0x10000  }
0x11: {  	s9 =	sshrl.u32 s10, $0x3;
	[sflag:s3] =	ssyncset.done $0x0  }
0x12: {  	s9 =	sadd.s32 s13, s9;
	[sflag:s3] =	ssyncadd.s32 $0xFFFF0000  }
0x13: {  	[tilespmem:s2], [sflag:$0x2] =	stream.linear.gather [hbm4b:s9+s2], $0x200, $0x38;
	[tilespmem:$0x10200] =	vst v63  }
0x14: {  	_ =	swait.ge [sflag:s3], $0x200  }
0x15: {  	[sflag:s3] =	ssyncset.done $0x0  }
0x16: {  	[sflag:s3] =	ssyncadd.s32 $0xFFFFFE00  }
0x17: {  	[tilespmem:s6], [sflag:$0x1] =	stream.indirect.gather [hbm4b:s5+s6], $0x80, s2, s6, $0xb8;
	[tilespmem:$0x10200] =	vst v63  }
0x18: {  	_ =	swait.ge [sflag:s7], $0x10000  }
0x19: {  	s10 =	sshll.u32 s10, $0x4;
	[sflag:s7] =	ssyncset.done $0x0  }
0x1a: {  	s10 =	sadd.s32 s16, s10;
	[sflag:s7] =	ssyncadd.s32 $0xFFFF0000  }
0x1b: {  	[hbm4b:s10+s2] =	stream.linear.scatter [tilespmem:s6], [sflag:$0x2], $0x10000, $0x38;
	[tilespmem:$0x10200] =	vst v63  }
0x1c: {  	s12 =	sor.u32 $0x8000, s15;
	_ =	swait.ge [sflag:s3], $0x10000  }
0x1d: {  	s11 =	sshrl.u32 s12, $0x3;
	[sflag:s3] =	ssyncset.done $0x0  }
0x1e: {  	s11 =	sadd.s32 s13, s11;
	[sflag:s3] =	ssyncadd.s32 $0xFFFF0000  }
0x1f: {  	[tilespmem:s2], [sflag:$0x2] =	stream.linear.gather [hbm4b:s11+s2], $0x200, $0x38;
	[tilespmem:$0x10200] =	vst v63  }
0x20: {  	_ =	swait.ge [sflag:s3], $0x200  }
0x21: {  	[sflag:s3] =	ssyncset.done $0x0  }
0x22: {  	[sflag:s3] =	ssyncadd.s32 $0xFFFFFE00  }
0x23: {  	[tilespmem:s6], [sflag:$0x1] =	stream.indirect.gather [hbm4b:s5+s6], $0x80, s2, s6, $0xb8;
	[tilespmem:$0x10200] =	vst v63  }
0x24: {  	_ =	swait.ge [sflag:s7], $0x10000  }
0x25: {  	s12 =	sshll.u32 s12, $0x4;
	[sflag:s7] =	ssyncset.done $0x0  }
0x26: {  	s12 =	sadd.s32 s16, s12;
	[sflag:s7] =	ssyncadd.s32 $0xFFFF0000  }
0x27: {  	[hbm4b:s12+s2] =	stream.linear.scatter [tilespmem:s6], [sflag:$0x2], $0x10000, $0x38;
	[tilespmem:$0x10200] =	vst v63  }
0x28: {  	s15 =	sor.u32 $0xC000, s15;
	_ =	swait.ge [sflag:s3], $0x10000  }
0x29: {  	s17 =	sshrl.u32 s15, $0x3;
	[sflag:s3] =	ssyncset.done $0x0  }
0x2a: {  	s14 =	ssub.s32 $0x2, s14;
	s13 =	sadd.s32 s13, s17;
	[sflag:s3] =	ssyncadd.s32 $0xFFFF0000  }
0x2b: {  	[tilespmem:s2], [sflag:$0x2] =	stream.linear.gather [hbm4b:s13+s2], $0x200, $0x38;
	[tilespmem:$0x10200] =	vst v63  }
0x2c: {  	s29 =	sshrl.u32 s14, $0x1;
	_ =	swait.ge [sflag:s3], $0x200  }
0x2d: {  	s17 =	ssub.s32 s14, s29;
	[sflag:s3] =	ssyncset.done $0x0  }
0x2e: {  	s31 =	smax.u32 s17, $0x1;
	[sflag:s3] =	ssyncadd.s32 $0xFFFFFE00  }
0x2f: {  	[tilespmem:s6], [sflag:$0x1] =	stream.indirect.gather [hbm4b:s5+s6], $0x80, s2, s6, $0xb8;
	[tilespmem:$0x10200] =	vst v63  }
0x30: {  	p0 =	sne.s32 s31, $0x1;
	_ =	swait.ge [sflag:s7], $0x10000  }
.Ltmp0:
0x31: {  	s30 =	sshll.u32 s15, $0x4;
	[sflag:s7] =	ssyncset.done $0x0;
	(pc) =	sbr.rel @!p0 .LBB2_2-.Ltmp0, $4  }
0x32: {  	s14 =	sadd.s32 s16, s30;
	[sflag:s7] =	ssyncadd.s32 $0xFFFF0000  }
0x33: {  	[hbm4b:s14+s2] =	stream.linear.scatter [tilespmem:s6], [sflag:$0x2], $0x10000, $0x38;
	[tilespmem:$0x10200] =	vst v63  }
0x34: {  	_ =	swait.ge [sflag:s3], $0x10000  }
0x35: {  	s15 =	sadd.s32 $0xFFFFFFFF, s31;
	[sflag:s3] =	ssyncset.done $0x0  }
.LBB2_1:
0x36: {  	p0 =	sne.s32 s15, $0x1;
	s15 =	sadd.s32 $0xFFFFFFFF, s15;
	[sflag:s3] =	ssyncadd.s32 $0xFFFF0000  }
0x37: {  	[tilespmem:s2], [sflag:$0x2] =	stream.linear.gather [hbm4b:s4+s2], $0x200, $0x38;
	[tilespmem:$0x10200] =	vst v63  }
0x38: {  	_ =	swait.ge [sflag:s3], $0x200  }
0x39: {  	[sflag:s3] =	ssyncset.done $0x0  }
0x3a: {  	[sflag:s3] =	ssyncadd.s32 $0xFFFFFE00  }
0x3b: {  	[tilespmem:s6], [sflag:$0x1] =	stream.indirect.gather [hbm4b:s5+s6], $0x80, s2, s6, $0xb8;
	[tilespmem:$0x10200] =	vst v63  }
0x3c: {  	_ =	swait.ge [sflag:s7], $0x10000  }
0x3d: {  	[sflag:s7] =	ssyncset.done $0x0  }
0x3e: {  	[sflag:s7] =	ssyncadd.s32 $0xFFFF0000  }
0x3f: {  	[hbm4b:s8+s2] =	stream.linear.scatter [tilespmem:s6], [sflag:$0x2], $0x10000, $0x38;
	[tilespmem:$0x10200] =	vst v63  }
0x40: {  	_ =	swait.ge [sflag:s3], $0x10000  }
0x41: {  	[sflag:s3] =	ssyncset.done $0x0  }
0x42: {  	[sflag:s3] =	ssyncadd.s32 $0xFFFF0000  }
0x43: {  	[tilespmem:s2], [sflag:$0x2] =	stream.linear.gather [hbm4b:s9+s2], $0x200, $0x38;
	[tilespmem:$0x10200] =	vst v63  }
0x44: {  	_ =	swait.ge [sflag:s3], $0x200  }
0x45: {  	[sflag:s3] =	ssyncset.done $0x0  }
0x46: {  	[sflag:s3] =	ssyncadd.s32 $0xFFFFFE00  }
0x47: {  	[tilespmem:s6], [sflag:$0x1] =	stream.indirect.gather [hbm4b:s5+s6], $0x80, s2, s6, $0xb8;
	[tilespmem:$0x10200] =	vst v63  }
0x48: {  	_ =	swait.ge [sflag:s7], $0x10000  }
0x49: {  	[sflag:s7] =	ssyncset.done $0x0  }
0x4a: {  	[sflag:s7] =	ssyncadd.s32 $0xFFFF0000  }
0x4b: {  	[hbm4b:s10+s2] =	stream.linear.scatter [tilespmem:s6], [sflag:$0x2], $0x10000, $0x38;
	[tilespmem:$0x10200] =	vst v63  }
0x4c: {  	_ =	swait.ge [sflag:s3], $0x10000  }
0x4d: {  	[sflag:s3] =	ssyncset.done $0x0  }
0x4e: {  	[sflag:s3] =	ssyncadd.s32 $0xFFFF0000  }
0x4f: {  	[tilespmem:s2], [sflag:$0x2] =	stream.linear.gather [hbm4b:s11+s2], $0x200, $0x38;
	[tilespmem:$0x10200] =	vst v63  }
0x50: {  	_ =	swait.ge [sflag:s3], $0x200  }
0x51: {  	[sflag:s3] =	ssyncset.done $0x0  }
0x52: {  	[sflag:s3] =	ssyncadd.s32 $0xFFFFFE00  }
0x53: {  	[tilespmem:s6], [sflag:$0x1] =	stream.indirect.gather [hbm4b:s5+s6], $0x80, s2, s6, $0xb8;
	[tilespmem:$0x10200] =	vst v63  }
0x54: {  	_ =	swait.ge [sflag:s7], $0x10000  }
0x55: {  	[sflag:s7] =	ssyncset.done $0x0  }
0x56: {  	[sflag:s7] =	ssyncadd.s32 $0xFFFF0000  }
0x57: {  	[hbm4b:s12+s2] =	stream.linear.scatter [tilespmem:s6], [sflag:$0x2], $0x10000, $0x38;
	[tilespmem:$0x10200] =	vst v63  }
0x58: {  	_ =	swait.ge [sflag:s3], $0x10000  }
0x59: {  	[sflag:s3] =	ssyncset.done $0x0  }
0x5a: {  	[sflag:s3] =	ssyncadd.s32 $0xFFFF0000  }
0x5b: {  	[tilespmem:s2], [sflag:$0x2] =	stream.linear.gather [hbm4b:s13+s2], $0x200, $0x38;
	[tilespmem:$0x10200] =	vst v63  }
0x5c: {  	_ =	swait.ge [sflag:s3], $0x200  }
0x5d: {  	[sflag:s3] =	ssyncset.done $0x0  }
0x5e: {  	[sflag:s3] =	ssyncadd.s32 $0xFFFFFE00  }
0x5f: {  	[tilespmem:s6], [sflag:$0x1] =	stream.indirect.gather [hbm4b:s5+s6], $0x80, s2, s6, $0xb8;
	[tilespmem:$0x10200] =	vst v63  }
0x60: {  	_ =	swait.ge [sflag:s7], $0x10000  }
.Ltmp1:
0x61: {  	[sflag:s7] =	ssyncset.done $0x0;
	(pc) =	sbr.rel @p0 .LBB2_1-.Ltmp1, $4  }
0x62: {  	[sflag:s7] =	ssyncadd.s32 $0xFFFF0000  }
0x63: {  	[hbm4b:s14+s2] =	stream.linear.scatter [tilespmem:s6], [sflag:$0x2], $0x10000, $0x38;
	[tilespmem:$0x10200] =	vst v63  }
0x64: {  	_ =	swait.ge [sflag:s3], $0x10000  }
0x65: {  	[sflag:s3] =	ssyncset.done $0x0  }
.LBB2_2:
0x66: {  	[sflag:s3] =	ssyncadd.s32 $0xFFFF0000  }
0x67: {  	_ =	sfence.sel $0x180000  }
0x68: {  	[bflag:$0x0] =	sbarrier.arrive $0xFFFF  }
0x69: {  	p0 =	sne.s32 s0, $0x0;
	_ =	strace $0x90000047  }
0x6a: {  	s0 =	sadd.s32 @!p0 $0x100000, s1;
	[bflag:$0x2] =	sbarrier.arrive $0xFFFF  }
0x6b: {  	[sflag:s0] =	ssyncadd.tile.s32 @!p0 $0x1;
	_ =	shalt  }
.Lfunc_end2:
_tile_overlayer_lowered:
.L_overlay_start_2:
0x6c: {  	(tag) =	ssettag $0x2  }
0x6d: {  	s0 =	rddreg [dreg:$0x0];
	s2 =	stileid.u32  }
0x6e: {  	s1 =	rddreg [dreg:$0x1];
	p0 =	sne.s32 s2, $0x0  }
0x6f: {  	s3 =	rddreg [dreg:$0x2];
	[bflag:$0x3] =	sbarrier.arrive $0xFFFF;
	s2 =	simm.s32 @!p0 $0x1C02  }
0x70: {  	[timem:s3], [sflag:s2] =	dma.local @!p0 [hbm:s0], s1  }
0x71: {  	s0 =	simm.s32 @!p0 $0x2  }
0x72: {  	_ =	swait.ge @!p0 [sflag:s0], s1  }
0x73: {  	s1 =	ssub.s32 @!p0 $0x0, s1;
	[sflag:s0] =	ssyncset.done @!p0 $0x0  }
0x74: {  	[sflag:s0] =	ssyncadd.s32 @!p0 s1  }
0x75: {  	[bflag:$0x3] =	sbarrier.arrive $0xFFFF  }
0x76: {  	_ =	shalt  }

</sc_bundles>
